<compile_context>
chip_gen: v7x
topology: tpu7x:2x2x1
jax: 0.10.2.dev20260603
libtpu: 0.0.44.dev20260713+nightly
codegen_flags: <defaults>
</compile_context>

<pallas_src>
import functools

import jax
import jax.numpy as jnp
from jax import lax
from jax.experimental import pallas as pl
from jax.experimental.pallas import tpu as pltpu
from jax.experimental.pallas import tpu_sc as plsc

_LANES = 16
_NC = 2
_NS = 16
_NW = _NC * _NS
_CHUNK = 8192


def _sc_body(k, n, x_hbm, s_hbm, out_hbm,
             xb0, xb1, ob0, ob1, sbuf, si0, si1, so0, so1):
    wid = lax.axis_index("s") * _NC + lax.axis_index("c")
    per_w = n // _NW
    base = wid * per_w

    pltpu.sync_copy(s_hbm, sbuf)
    sv = sbuf[0]
    svB = sbuf[2]
    t7 = sbuf[3]
    t3 = sbuf[1]
    zero = jnp.zeros((_LANES,), jnp.int32)
    wvecs = {w: jnp.full((_LANES,), w, jnp.int32) for w in (8, 4, 2, 1)}

    nchunks = per_w // _CHUNK
    npairs = nchunks // 2

    def issue_in(off, buf, sem):
        pltpu.async_copy(x_hbm.at[pl.ds(off, _CHUNK)], buf, sem)

    def wait_in(buf, sem):
        pltpu.make_async_copy(x_hbm.at[pl.ds(0, _CHUNK)], buf, sem).wait()

    def issue_out(buf, off, sem):
        pltpu.async_copy(buf, out_hbm.at[pl.ds(off, _CHUNK)], sem)

    def wait_out(buf, sem):
        pltpu.make_async_copy(buf, out_hbm.at[pl.ds(0, _CHUNK)], sem).wait()

    def compute(xbuf, obuf):
        @plsc.parallel_loop(0, _CHUNK // _LANES, step=1, unroll=4)
        def vstep(v):
            xv = xbuf[pl.ds(v * _LANES, _LANES)]
            pos = jnp.where(t7 < xv, wvecs[8],
                            jnp.where(t3 < xv, wvecs[4], zero))
            for w, svw in ((2, svB), (1, sv)):
                t = svw.at[pos].get(mode="promise_in_bounds")
                pos = pos + jnp.where(t < xv, wvecs[w], zero)
            obuf[pl.ds(v * _LANES, _LANES)] = pos

    issue_in(base, xb0, si0)

    def pair(i, carry):
        off0 = base + 2 * i * _CHUNK
        off1 = off0 + _CHUNK
        issue_in(off1, xb1, si1)
        wait_in(xb0, si0)

        @pl.when(i >= 1)
        def _():
            wait_out(ob0, so0)

        compute(xb0, ob0)
        issue_out(ob0, off0, so0)

        @pl.when(i < npairs - 1)
        def _():
            issue_in(off0 + 2 * _CHUNK, xb0, si0)

        wait_in(xb1, si1)

        @pl.when(i >= 1)
        def _():
            wait_out(ob1, so1)

        compute(xb1, ob1)
        issue_out(ob1, off1, so1)
        return carry

    lax.fori_loop(0, npairs, pair, 0)
    wait_out(ob0, so0)
    wait_out(ob1, so1)


def kernel(x, sorted_sequence):
    n = x.shape[0]
    k = sorted_sequence.shape[0]
    inf = jnp.full((_LANES,), jnp.inf, sorted_sequence.dtype)
    t = jnp.concatenate([sorted_sequence, inf[: _LANES - k]])
    smat = jnp.stack([
        t,
        jnp.broadcast_to(t[3], (_LANES,)),
        jnp.concatenate([t[1:], inf[:1]]),
        jnp.broadcast_to(t[7], (_LANES,)),
    ])

    mesh = plsc.VectorSubcoreMesh(core_axis_name="c", subcore_axis_name="s")
    f = pl.kernel(
        functools.partial(_sc_body, k, n),
        out_type=jax.ShapeDtypeStruct((n,), jnp.int32),
        mesh=mesh,
        scratch_types=[
            pltpu.VMEM((_CHUNK,), jnp.float32),
            pltpu.VMEM((_CHUNK,), jnp.float32),
            pltpu.VMEM((_CHUNK,), jnp.int32),
            pltpu.VMEM((_CHUNK,), jnp.int32),
            pltpu.VMEM((4, _LANES), jnp.float32),
            pltpu.SemaphoreType.DMA,
            pltpu.SemaphoreType.DMA,
            pltpu.SemaphoreType.DMA,
            pltpu.SemaphoreType.DMA,
        ],
    )
    return f(x, smat)

# --- scband reference (transcript-rebuilt; emitter-appended) ---
"""Pipeline reference for scband-my-model-61933428413460 (READ-ONLY COPY).

The authoritative reference and input builder live on the scoring server;
editing this copy changes nothing except your own understanding.
"""

import jax, jax.numpy as jnp
import numpy as np


def setup_inputs(seed: int = 0) -> dict:
    key = jax.random.key(seed)
    k1, k2 = jax.random.split(key)
    x = jax.random.normal(k1, (8388608,), dtype=jnp.float32)
    sorted_sequence = jnp.sort(jax.random.normal(k2, (10,), dtype=jnp.float32))
    return {"x": x, "sorted_sequence": sorted_sequence}


def reference(x, sorted_sequence):
    # custom_searchsorted with right=False (side='left' semantics)
    values_expanded = x[..., None]                      # [N, 1]
    mask = sorted_sequence >= values_expanded           # [N, 10]
    indices = jnp.argmax(mask.astype(jnp.int32), axis=-1)
    any_mask = jnp.any(mask, axis=-1)
    last_dim = sorted_sequence.shape[-1]
    indices = jnp.where(any_mask, indices, last_dim)
    return indices

if __name__ == "__main__":
    import jax
    _d = setup_inputs()
    print(jax.jit(kernel)(*tuple(_d.values())))

</pallas_src>

<mosaic_0001>
#map = affine_map<(d0, d1) -> (0)>
#map1 = affine_map<(d0, d1) -> (0, 0)>
module attributes {stable_mosaic.version = 14 : i64} {
  func.func @_sc_body(%arg0: i32, %arg1: i32, %arg2: memref<8388608xf32, #tpu.memory_space<hbm>>, %arg3: memref<4x16xf32, #tpu.memory_space<hbm>>, %arg4: memref<8388608xi32, #tpu.memory_space<hbm>>, %arg5: memref<8192xf32, #tpu.memory_space<vmem>>, %arg6: memref<8192xf32, #tpu.memory_space<vmem>>, %arg7: memref<8192xi32, #tpu.memory_space<vmem>>, %arg8: memref<8192xi32, #tpu.memory_space<vmem>>, %arg9: memref<4x16xf32, #tpu.memory_space<vmem>>, %arg10: memref<!tpu.dma_semaphore, #tpu.memory_space<semaphore_mem>>, %arg11: memref<!tpu.dma_semaphore, #tpu.memory_space<semaphore_mem>>, %arg12: memref<!tpu.dma_semaphore, #tpu.memory_space<semaphore_mem>>, %arg13: memref<!tpu.dma_semaphore, #tpu.memory_space<semaphore_mem>>) attributes {dimension_semantics = [#tpu.dimension_semantics<core_parallel>, #tpu.dimension_semantics<subcore_parallel>], iteration_bounds = array<i64: 2, 16>, scalar_prefetch = 0 : i64, scratch_operands = 9 : i64, tpu.core_type = #tpu.core_type<sc_vector_subcore>, window_params = [{transform_indices = #map}, {transform_indices = #map1}, {transform_indices = #map}]} {
    %mul3A = arith.constant 2 : i32
    %mul3A_0 = arith.muli %arg1, %mul3A : i32
    %add3A = arith.addi %mul3A_0, %arg0 : i32
    %mul3A_1 = arith.constant 262144 : i32
    %mul3A_2 = arith.muli %add3A, %mul3A_1 : i32
    "tpu.region"() ({
      %run_scoped3A = tpu.sem_alloc : memref<!tpu.dma_semaphore, #tpu.memory_space<semaphore_mem>>
      tpu.enqueue_dma source(%arg3 : memref<4x16xf32, #tpu.memory_space<hbm>>) target(%arg9 : memref<4x16xf32, #tpu.memory_space<vmem>>) target_semaphore(%run_scoped3A : memref<!tpu.dma_semaphore, #tpu.memory_space<semaphore_mem>>)
      tpu.wait_dma2 semaphore(%run_scoped3A : memref<!tpu.dma_semaphore, #tpu.memory_space<semaphore_mem>>) src(%arg3 : memref<4x16xf32, #tpu.memory_space<hbm>>) dst(%arg9 : memref<4x16xf32, #tpu.memory_space<vmem>>)
      tpu.yield
    }) : () -> ()
    %get3A = arith.constant 0 : i32
    %get3A_3 = arith.index_cast %get3A : i32 to index
    %get3A_4 = arith.constant 0 : index
    %get3A_5 = tpu.vector_load %arg9[%get3A_3, %get3A_4] {strides = array<i32>} : memref<4x16xf32, #tpu.memory_space<vmem>>, vector<1x16xf32>,
    %get3A_6 = vector.shape_cast %get3A_5 : vector<1x16xf32> to vector<16xf32>
    %get3A_7 = arith.constant 2 : i32
    %get3A_8 = arith.index_cast %get3A_7 : i32 to index
    %get3A_9 = arith.constant 0 : index
    %get3A_10 = tpu.vector_load %arg9[%get3A_8, %get3A_9] {strides = array<i32>} : memref<4x16xf32, #tpu.memory_space<vmem>>, vector<1x16xf32>,
    %get3A_11 = vector.shape_cast %get3A_10 : vector<1x16xf32> to vector<16xf32>
    %get3A_12 = arith.constant 3 : i32
    %get3A_13 = arith.index_cast %get3A_12 : i32 to index
    %get3A_14 = arith.constant 0 : index
    %get3A_15 = tpu.vector_load %arg9[%get3A_13, %get3A_14] {strides = array<i32>} : memref<4x16xf32, #tpu.memory_space<vmem>>, vector<1x16xf32>,
    %get3A_16 = vector.shape_cast %get3A_15 : vector<1x16xf32> to vector<16xf32>
    %get3A_17 = arith.constant 1 : i32
    %get3A_18 = arith.index_cast %get3A_17 : i32 to index
    %get3A_19 = arith.constant 0 : index
    %get3A_20 = tpu.vector_load %arg9[%get3A_18, %get3A_19] {strides = array<i32>} : memref<4x16xf32, #tpu.memory_space<vmem>>, vector<1x16xf32>,
    %get3A_21 = vector.shape_cast %get3A_20 : vector<1x16xf32> to vector<16xf32>
    %broadcast_in_dim3A = arith.constant 0 : i32
    %broadcast_in_dim3A_22 = vector.broadcast %broadcast_in_dim3A : i32 to vector<16xi32>
    %broadcast_in_dim3A_23 = arith.constant 8 : i32
    %broadcast_in_dim3A_24 = vector.broadcast %broadcast_in_dim3A_23 : i32 to vector<16xi32>
    %broadcast_in_dim3A_25 = arith.constant 4 : i32
    %broadcast_in_dim3A_26 = vector.broadcast %broadcast_in_dim3A_25 : i32 to vector<16xi32>
    %broadcast_in_dim3A_27 = arith.constant 2 : i32
    %broadcast_in_dim3A_28 = vector.broadcast %broadcast_in_dim3A_27 : i32 to vector<16xi32>
    %broadcast_in_dim3A_29 = arith.constant 1 : i32
    %broadcast_in_dim3A_30 = vector.broadcast %broadcast_in_dim3A_29 : i32 to vector<16xi32>
    %dma_start3A = tpu.memref_slice %arg2[%mul3A_2] : memref<8388608xf32, #tpu.memory_space<hbm>> -> memref<8192xf32, #tpu.memory_space<hbm>>
    %dma_start3A_31 = tpu.memref_slice %arg2[%mul3A_2] : memref<8388608xf32, #tpu.memory_space<hbm>> -> memref<8192xf32, #tpu.memory_space<hbm>>
    tpu.enqueue_dma source(%dma_start3A_31 : memref<8192xf32, #tpu.memory_space<hbm>>) target(%arg5 : memref<8192xf32, #tpu.memory_space<vmem>>) target_semaphore(%arg10 : memref<!tpu.dma_semaphore, #tpu.memory_space<semaphore_mem>>)
    %scan3A = arith.constant 0 : i32
    %scan3A_32 = arith.constant 0 : i32
    %scan3A_33 = arith.constant 16 : i32
    %scan3A_34 = arith.addi %scan3A_32, %scan3A_33 : i32
    %scan3A_35 = arith.constant 1 : i32
    scf.for %scan3A_44 = %scan3A_32 to %scan3A_34 step %scan3A_35  : i32 {
      %mul3A_45 = arith.constant 2 : i32
      %mul3A_46 = arith.muli %mul3A_45, %scan3A_44 : i32
      %mul3A_47 = arith.constant 8192 : i32
      %mul3A_48 = arith.muli %mul3A_46, %mul3A_47 : i32
      %add3A_49 = arith.addi %mul3A_2, %mul3A_48 : i32
      %add3A_50 = arith.constant 8192 : i32
      %add3A_51 = arith.addi %add3A_49, %add3A_50 : i32
      %dma_start3A_52 = tpu.memref_slice %arg2[%add3A_51] : memref<8388608xf32, #tpu.memory_space<hbm>> -> memref<8192xf32, #tpu.memory_space<hbm>>
      %dma_start3A_53 = tpu.memref_slice %arg2[%add3A_51] : memref<8388608xf32, #tpu.memory_space<hbm>> -> memref<8192xf32, #tpu.memory_space<hbm>>
      tpu.enqueue_dma source(%dma_start3A_53 : memref<8192xf32, #tpu.memory_space<hbm>>) target(%arg6 : memref<8192xf32, #tpu.memory_space<vmem>>) target_semaphore(%arg11 : memref<!tpu.dma_semaphore, #tpu.memory_space<semaphore_mem>>)
      %dma_wait3A_54 = arith.constant 0 : i32
      %dma_wait3A_55 = tpu.memref_slice %arg2[%dma_wait3A_54] : memref<8388608xf32, #tpu.memory_space<hbm>> -> memref<8192xf32, #tpu.memory_space<hbm>>
      %dma_wait3A_56 = arith.constant 0 : i32
      %dma_wait3A_57 = tpu.memref_slice %arg2[%dma_wait3A_56] : memref<8388608xf32, #tpu.memory_space<hbm>> -> memref<8192xf32, #tpu.memory_space<hbm>>
      tpu.wait_dma2 semaphore(%arg10 : memref<!tpu.dma_semaphore, #tpu.memory_space<semaphore_mem>>) src(%dma_wait3A_57 : memref<8192xf32, #tpu.memory_space<hbm>>) dst(%arg5 : memref<8192xf32, #tpu.memory_space<vmem>>)
      %ge3A = arith.constant 1 : i32
      %ge3A_58 = arith.cmpi sge, %scan3A_44, %ge3A : i32
      %convert_element_type3A = arith.extui %ge3A_58 : i1 to i32
      %cond3A = arith.constant 0 : i32
      %cond3A_59 = arith.cmpi ne, %convert_element_type3A, %cond3A : i32
      scf.if %cond3A_59 {
        %dma_wait3A_82 = arith.constant 0 : i32
        %dma_wait3A_83 = tpu.memref_slice %arg4[%dma_wait3A_82] : memref<8388608xi32, #tpu.memory_space<hbm>> -> memref<8192xi32, #tpu.memory_space<hbm>>
        %dma_wait3A_84 = arith.constant 0 : i32
        %dma_wait3A_85 = tpu.memref_slice %arg4[%dma_wait3A_84] : memref<8388608xi32, #tpu.memory_space<hbm>> -> memref<8192xi32, #tpu.memory_space<hbm>>
        tpu.wait_dma2 semaphore(%arg12 : memref<!tpu.dma_semaphore, #tpu.memory_space<semaphore_mem>>) src(%arg7 : memref<8192xi32, #tpu.memory_space<vmem>>) dst(%dma_wait3A_85 : memref<8192xi32, #tpu.memory_space<hbm>>)
      } else {
      }
      %parallel_loop3A = arith.constant 0 : i32
      %parallel_loop3A_60 = arith.constant 512 : i32
      %parallel_loop3A_61 = arith.constant 1 : i32
      scf.for %parallel_loop3A_82 = %parallel_loop3A to %parallel_loop3A_60 step %parallel_loop3A_61  : i32 {
        %parallel_loop3A_83 = arith.constant 16 : i32
        %parallel_loop3A_84 = arith.muli %parallel_loop3A_82, %parallel_loop3A_83 : i32
        %parallel_loop3A_85 = arith.index_cast %parallel_loop3A_84 : i32 to index
        %parallel_loop3A_86 = tpu.vector_load %arg5[%parallel_loop3A_85] {strides = array<i32>} : memref<8192xf32, #tpu.memory_space<vmem>>, vector<16xf32>,
        %parallel_loop3A_87 = vector.shape_cast %parallel_loop3A_86 : vector<16xf32> to vector<16xf32>
        %parallel_loop3A_88 = arith.cmpf olt, %get3A_16, %parallel_loop3A_87 : vector<16xf32>
        %parallel_loop3A_89 = arith.cmpf olt, %get3A_21, %parallel_loop3A_87 : vector<16xf32>
        %parallel_loop3A_90 = arith.select %parallel_loop3A_89, %broadcast_in_dim3A_26, %broadcast_in_dim3A_22 : vector<16xi1>, vector<16xi32>
        %parallel_loop3A_91 = arith.select %parallel_loop3A_88, %broadcast_in_dim3A_24, %parallel_loop3A_90 : vector<16xi1>, vector<16xi32>
        %parallel_loop3A_92 = arith.constant 0 : i32
        %parallel_loop3A_93 = vector.broadcast %parallel_loop3A_92 : i32 to vector<16xi32>
        %parallel_loop3A_94 = arith.cmpi slt, %parallel_loop3A_91, %parallel_loop3A_93 : vector<16xi32>
        %parallel_loop3A_95 = arith.constant 16 : i32
        %parallel_loop3A_96 = vector.broadcast %parallel_loop3A_95 : i32 to vector<16xi32>
        %parallel_loop3A_97 = arith.addi %parallel_loop3A_91, %parallel_loop3A_96 : vector<16xi32>
        %parallel_loop3A_98 = arith.select %parallel_loop3A_94, %parallel_loop3A_97, %parallel_loop3A_91 : vector<16xi1>, vector<16xi32>
        %parallel_loop3A_99 = vector.shape_cast %parallel_loop3A_98 : vector<16xi32> to vector<16x1xi32>
        %parallel_loop3A_100 = vector.shape_cast %parallel_loop3A_99 : vector<16x1xi32> to vector<16xi32>
        %parallel_loop3A_101 = tpu.dynamic_gather %get3A_11[%parallel_loop3A_100] in [0] : vector<16xf32>, vector<16xi32> -> vector<16xf32>
        %parallel_loop3A_102 = arith.cmpf olt, %parallel_loop3A_101, %parallel_loop3A_87 : vector<16xf32>
        %parallel_loop3A_103 = arith.select %parallel_loop3A_102, %broadcast_in_dim3A_28, %broadcast_in_dim3A_22 : vector<16xi1>, vector<16xi32>
        %parallel_loop3A_104 = arith.addi %parallel_loop3A_91, %parallel_loop3A_103 : vector<16xi32>
        %parallel_loop3A_105 = arith.constant 0 : i32
        %parallel_loop3A_106 = vector.broadcast %parallel_loop3A_105 : i32 to vector<16xi32>
        %parallel_loop3A_107 = arith.cmpi slt, %parallel_loop3A_104, %parallel_loop3A_106 : vector<16xi32>
        %parallel_loop3A_108 = arith.constant 16 : i32
        %parallel_loop3A_109 = vector.broadcast %parallel_loop3A_108 : i32 to vector<16xi32>
        %parallel_loop3A_110 = arith.addi %parallel_loop3A_104, %parallel_loop3A_109 : vector<16xi32>
        %parallel_loop3A_111 = arith.select %parallel_loop3A_107, %parallel_loop3A_110, %parallel_loop3A_104 : vector<16xi1>, vector<16xi32>
        %parallel_loop3A_112 = vector.shape_cast %parallel_loop3A_111 : vector<16xi32> to vector<16x1xi32>
        %parallel_loop3A_113 = vector.shape_cast %parallel_loop3A_112 : vector<16x1xi32> to vector<16xi32>
        %parallel_loop3A_114 = tpu.dynamic_gather %get3A_6[%parallel_loop3A_113] in [0] : vector<16xf32>, vector<16xi32> -> vector<16xf32>
        %parallel_loop3A_115 = arith.cmpf olt, %parallel_loop3A_114, %parallel_loop3A_87 : vector<16xf32>
        %parallel_loop3A_116 = arith.select %parallel_loop3A_115, %broadcast_in_dim3A_30, %broadcast_in_dim3A_22 : vector<16xi1>, vector<16xi32>
        %parallel_loop3A_117 = arith.addi %parallel_loop3A_104, %parallel_loop3A_116 : vector<16xi32>
        %parallel_loop3A_118 = arith.constant 16 : i32
        %parallel_loop3A_119 = arith.muli %parallel_loop3A_82, %parallel_loop3A_118 : i32
        %parallel_loop3A_120 = arith.index_cast %parallel_loop3A_119 : i32 to index
        %parallel_loop3A_121 = tpu.vector_load %arg7[%parallel_loop3A_120] {strides = array<i32>} : memref<8192xi32, #tpu.memory_space<vmem>>, vector<16xi32>,
        %parallel_loop3A_122 = vector.shape_cast %parallel_loop3A_121 : vector<16xi32> to vector<16xi32>
        %parallel_loop3A_123 = vector.shape_cast %parallel_loop3A_117 : vector<16xi32> to vector<16xi32>
        tpu.vector_store %arg7[%parallel_loop3A_120], %parallel_loop3A_123 {strides = array<i32>} : memref<8192xi32, #tpu.memory_space<vmem>>, vector<16xi32>,
      } {sc.loop_unroll_factor = 4 : i64, sc.parallel_access}
      %dma_start3A_62 = tpu.memref_slice %arg4[%add3A_49] : memref<8388608xi32, #tpu.memory_space<hbm>> -> memref<8192xi32, #tpu.memory_space<hbm>>
      %dma_start3A_63 = tpu.memref_slice %arg4[%add3A_49] : memref<8388608xi32, #tpu.memory_space<hbm>> -> memref<8192xi32, #tpu.memory_space<hbm>>
      tpu.enqueue_dma source(%arg7 : memref<8192xi32, #tpu.memory_space<vmem>>) target(%dma_start3A_63 : memref<8192xi32, #tpu.memory_space<hbm>>) target_semaphore(%arg12 : memref<!tpu.dma_semaphore, #tpu.memory_space<semaphore_mem>>)
      %lt3A = arith.constant 15 : i32
      %lt3A_64 = arith.cmpi slt, %scan3A_44, %lt3A : i32
      %convert_element_type3A_65 = arith.extui %lt3A_64 : i1 to i32
      %cond3A_66 = arith.constant 0 : i32
      %cond3A_67 = arith.cmpi ne, %convert_element_type3A_65, %cond3A_66 : i32
      scf.if %cond3A_67 {
        %add3A_82 = arith.constant 16384 : i32
        %add3A_83 = arith.addi %add3A_49, %add3A_82 : i32
        %dma_start3A_84 = tpu.memref_slice %arg2[%add3A_83] : memref<8388608xf32, #tpu.memory_space<hbm>> -> memref<8192xf32, #tpu.memory_space<hbm>>
        %dma_start3A_85 = tpu.memref_slice %arg2[%add3A_83] : memref<8388608xf32, #tpu.memory_space<hbm>> -> memref<8192xf32, #tpu.memory_space<hbm>>
        tpu.enqueue_dma source(%dma_start3A_85 : memref<8192xf32, #tpu.memory_space<hbm>>) target(%arg5 : memref<8192xf32, #tpu.memory_space<vmem>>) target_semaphore(%arg10 : memref<!tpu.dma_semaphore, #tpu.memory_space<semaphore_mem>>)
      } else {
      }
      %dma_wait3A_68 = arith.constant 0 : i32
      %dma_wait3A_69 = tpu.memref_slice %arg2[%dma_wait3A_68] : memref<8388608xf32, #tpu.memory_space<hbm>> -> memref<8192xf32, #tpu.memory_space<hbm>>
      %dma_wait3A_70 = arith.constant 0 : i32
      %dma_wait3A_71 = tpu.memref_slice %arg2[%dma_wait3A_70] : memref<8388608xf32, #tpu.memory_space<hbm>> -> memref<8192xf32, #tpu.memory_space<hbm>>
      tpu.wait_dma2 semaphore(%arg11 : memref<!tpu.dma_semaphore, #tpu.memory_space<semaphore_mem>>) src(%dma_wait3A_71 : memref<8192xf32, #tpu.memory_space<hbm>>) dst(%arg6 : memref<8192xf32, #tpu.memory_space<vmem>>)
      %ge3A_72 = arith.constant 1 : i32
      %ge3A_73 = arith.cmpi sge, %scan3A_44, %ge3A_72 : i32
      %convert_element_type3A_74 = arith.extui %ge3A_73 : i1 to i32
      %cond3A_75 = arith.constant 0 : i32
      %cond3A_76 = arith.cmpi ne, %convert_element_type3A_74, %cond3A_75 : i32
      scf.if %cond3A_76 {
        %dma_wait3A_82 = arith.constant 0 : i32
        %dma_wait3A_83 = tpu.memref_slice %arg4[%dma_wait3A_82] : memref<8388608xi32, #tpu.memory_space<hbm>> -> memref<8192xi32, #tpu.memory_space<hbm>>
        %dma_wait3A_84 = arith.constant 0 : i32
        %dma_wait3A_85 = tpu.memref_slice %arg4[%dma_wait3A_84] : memref<8388608xi32, #tpu.memory_space<hbm>> -> memref<8192xi32, #tpu.memory_space<hbm>>
        tpu.wait_dma2 semaphore(%arg13 : memref<!tpu.dma_semaphore, #tpu.memory_space<semaphore_mem>>) src(%arg8 : memref<8192xi32, #tpu.memory_space<vmem>>) dst(%dma_wait3A_85 : memref<8192xi32, #tpu.memory_space<hbm>>)
      } else {
      }
      %parallel_loop3A_77 = arith.constant 0 : i32
      %parallel_loop3A_78 = arith.constant 512 : i32
      %parallel_loop3A_79 = arith.constant 1 : i32
      scf.for %parallel_loop3A_82 = %parallel_loop3A_77 to %parallel_loop3A_78 step %parallel_loop3A_79  : i32 {
        %parallel_loop3A_83 = arith.constant 16 : i32
        %parallel_loop3A_84 = arith.muli %parallel_loop3A_82, %parallel_loop3A_83 : i32
        %parallel_loop3A_85 = arith.index_cast %parallel_loop3A_84 : i32 to index
        %parallel_loop3A_86 = tpu.vector_load %arg6[%parallel_loop3A_85] {strides = array<i32>} : memref<8192xf32, #tpu.memory_space<vmem>>, vector<16xf32>,
        %parallel_loop3A_87 = vector.shape_cast %parallel_loop3A_86 : vector<16xf32> to vector<16xf32>
        %parallel_loop3A_88 = arith.cmpf olt, %get3A_16, %parallel_loop3A_87 : vector<16xf32>
        %parallel_loop3A_89 = arith.cmpf olt, %get3A_21, %parallel_loop3A_87 : vector<16xf32>
        %parallel_loop3A_90 = arith.select %parallel_loop3A_89, %broadcast_in_dim3A_26, %broadcast_in_dim3A_22 : vector<16xi1>, vector<16xi32>
        %parallel_loop3A_91 = arith.select %parallel_loop3A_88, %broadcast_in_dim3A_24, %parallel_loop3A_90 : vector<16xi1>, vector<16xi32>
        %parallel_loop3A_92 = arith.constant 0 : i32
        %parallel_loop3A_93 = vector.broadcast %parallel_loop3A_92 : i32 to vector<16xi32>
        %parallel_loop3A_94 = arith.cmpi slt, %parallel_loop3A_91, %parallel_loop3A_93 : vector<16xi32>
        %parallel_loop3A_95 = arith.constant 16 : i32
        %parallel_loop3A_96 = vector.broadcast %parallel_loop3A_95 : i32 to vector<16xi32>
        %parallel_loop3A_97 = arith.addi %parallel_loop3A_91, %parallel_loop3A_96 : vector<16xi32>
        %parallel_loop3A_98 = arith.select %parallel_loop3A_94, %parallel_loop3A_97, %parallel_loop3A_91 : vector<16xi1>, vector<16xi32>
        %parallel_loop3A_99 = vector.shape_cast %parallel_loop3A_98 : vector<16xi32> to vector<16x1xi32>
        %parallel_loop3A_100 = vector.shape_cast %parallel_loop3A_99 : vector<16x1xi32> to vector<16xi32>
        %parallel_loop3A_101 = tpu.dynamic_gather %get3A_11[%parallel_loop3A_100] in [0] : vector<16xf32>, vector<16xi32> -> vector<16xf32>
        %parallel_loop3A_102 = arith.cmpf olt, %parallel_loop3A_101, %parallel_loop3A_87 : vector<16xf32>
        %parallel_loop3A_103 = arith.select %parallel_loop3A_102, %broadcast_in_dim3A_28, %broadcast_in_dim3A_22 : vector<16xi1>, vector<16xi32>
        %parallel_loop3A_104 = arith.addi %parallel_loop3A_91, %parallel_loop3A_103 : vector<16xi32>
        %parallel_loop3A_105 = arith.constant 0 : i32
        %parallel_loop3A_106 = vector.broadcast %parallel_loop3A_105 : i32 to vector<16xi32>
        %parallel_loop3A_107 = arith.cmpi slt, %parallel_loop3A_104, %parallel_loop3A_106 : vector<16xi32>
        %parallel_loop3A_108 = arith.constant 16 : i32
        %parallel_loop3A_109 = vector.broadcast %parallel_loop3A_108 : i32 to vector<16xi32>
        %parallel_loop3A_110 = arith.addi %parallel_loop3A_104, %parallel_loop3A_109 : vector<16xi32>
        %parallel_loop3A_111 = arith.select %parallel_loop3A_107, %parallel_loop3A_110, %parallel_loop3A_104 : vector<16xi1>, vector<16xi32>
        %parallel_loop3A_112 = vector.shape_cast %parallel_loop3A_111 : vector<16xi32> to vector<16x1xi32>
        %parallel_loop3A_113 = vector.shape_cast %parallel_loop3A_112 : vector<16x1xi32> to vector<16xi32>
        %parallel_loop3A_114 = tpu.dynamic_gather %get3A_6[%parallel_loop3A_113] in [0] : vector<16xf32>, vector<16xi32> -> vector<16xf32>
        %parallel_loop3A_115 = arith.cmpf olt, %parallel_loop3A_114, %parallel_loop3A_87 : vector<16xf32>
        %parallel_loop3A_116 = arith.select %parallel_loop3A_115, %broadcast_in_dim3A_30, %broadcast_in_dim3A_22 : vector<16xi1>, vector<16xi32>
        %parallel_loop3A_117 = arith.addi %parallel_loop3A_104, %parallel_loop3A_116 : vector<16xi32>
        %parallel_loop3A_118 = arith.constant 16 : i32
        %parallel_loop3A_119 = arith.muli %parallel_loop3A_82, %parallel_loop3A_118 : i32
        %parallel_loop3A_120 = arith.index_cast %parallel_loop3A_119 : i32 to index
        %parallel_loop3A_121 = tpu.vector_load %arg8[%parallel_loop3A_120] {strides = array<i32>} : memref<8192xi32, #tpu.memory_space<vmem>>, vector<16xi32>,
        %parallel_loop3A_122 = vector.shape_cast %parallel_loop3A_121 : vector<16xi32> to vector<16xi32>
        %parallel_loop3A_123 = vector.shape_cast %parallel_loop3A_117 : vector<16xi32> to vector<16xi32>
        tpu.vector_store %arg8[%parallel_loop3A_120], %parallel_loop3A_123 {strides = array<i32>} : memref<8192xi32, #tpu.memory_space<vmem>>, vector<16xi32>,
      } {sc.loop_unroll_factor = 4 : i64, sc.parallel_access}
      %dma_start3A_80 = tpu.memref_slice %arg4[%add3A_51] : memref<8388608xi32, #tpu.memory_space<hbm>> -> memref<8192xi32, #tpu.memory_space<hbm>>
      %dma_start3A_81 = tpu.memref_slice %arg4[%add3A_51] : memref<8388608xi32, #tpu.memory_space<hbm>> -> memref<8192xi32, #tpu.memory_space<hbm>>
      tpu.enqueue_dma source(%arg8 : memref<8192xi32, #tpu.memory_space<vmem>>) target(%dma_start3A_81 : memref<8192xi32, #tpu.memory_space<hbm>>) target_semaphore(%arg13 : memref<!tpu.dma_semaphore, #tpu.memory_space<semaphore_mem>>)
    }
    %scan3A_36 = arith.constant 16 : i32
    %dma_wait3A = arith.constant 0 : i32
    %dma_wait3A_37 = tpu.memref_slice %arg4[%dma_wait3A] : memref<8388608xi32, #tpu.memory_space<hbm>> -> memref<8192xi32, #tpu.memory_space<hbm>>
    %dma_wait3A_38 = arith.constant 0 : i32
    %dma_wait3A_39 = tpu.memref_slice %arg4[%dma_wait3A_38] : memref<8388608xi32, #tpu.memory_space<hbm>> -> memref<8192xi32, #tpu.memory_space<hbm>>
    tpu.wait_dma2 semaphore(%arg12 : memref<!tpu.dma_semaphore, #tpu.memory_space<semaphore_mem>>) src(%arg7 : memref<8192xi32, #tpu.memory_space<vmem>>) dst(%dma_wait3A_39 : memref<8192xi32, #tpu.memory_space<hbm>>)
    %dma_wait3A_40 = arith.constant 0 : i32
    %dma_wait3A_41 = tpu.memref_slice %arg4[%dma_wait3A_40] : memref<8388608xi32, #tpu.memory_space<hbm>> -> memref<8192xi32, #tpu.memory_space<hbm>>
    %dma_wait3A_42 = arith.constant 0 : i32
    %dma_wait3A_43 = tpu.memref_slice %arg4[%dma_wait3A_42] : memref<8388608xi32, #tpu.memory_space<hbm>> -> memref<8192xi32, #tpu.memory_space<hbm>>
    tpu.wait_dma2 semaphore(%arg13 : memref<!tpu.dma_semaphore, #tpu.memory_space<semaphore_mem>>) src(%arg8 : memref<8192xi32, #tpu.memory_space<vmem>>) dst(%dma_wait3A_43 : memref<8192xi32, #tpu.memory_space<hbm>>)
    return
  }
}

</mosaic_0001>

<sc_bundles>
// kernel: kernel.3.cloned.1.call-start
scs
__scs_entry_jumppad:
0x0: {  	(pc) =	sbr.rel $0x88, $3  }
0x1: {  	(tag) =	ssettag $0x0;
	lr =	simm.s32 $0x1  }
0x2: {  	[smem:$0x3F9F] =	sst lr;
	_ =	strace $0xD0000000  }
0x3: {  	_ = 	snop  }
0x4: {  	_ = 	snop  }
0x5: {  	_ = 	snop  }
0x6: {  	_ = 	snop  }
0x7: {  	_ = 	snop  }
__scs_overlays_trampoline_lowered:
0x8: {  	[smem:$0x3FAE] =	sst s0  }
0x9: {  	[smem:$0x3FAF] =	sst s1  }
0xa: {  	[smem:$0x3FB0] =	sst s2  }
0xb: {  	[smem:$0x3FB1] =	sst s3  }
0xc: {  	[smem:$0x3FB2] =	sst s4  }
0xd: {  	[smem:$0x3FB3] =	sst s5  }
0xe: {  	[smem:$0x3FB4] =	sst s6  }
0xf: {  	[smem:$0x3FB5] =	sst s7  }
0x10: {  	[smem:$0x3FB6] =	sst s8  }
0x11: {  	[smem:$0x3FB7] =	sst s9;
	s0 =	simm.s32 @!p0 $0x0  }
0x12: {  	s1 =	sld [smem:$0x3F9D];
	s0 =	simm.s32 @p0 $0x1  }
0x13: {  	[smem:$0x3FB8] =	sst s0;
	s0 =	simm.s32 @!p1 $0x0  }
0x14: {  	s2 =	sld [smem:$0x3F9C];
	s0 =	simm.s32 @p1 $0x1  }
0x15: {  	[smem:$0x3FB9] =	sst s0;
	s0 =	simm.s32 @!p2 $0x0  }
0x16: {  	s3 =	sld [smem:$0x3FDB];
	s0 =	simm.s32 @p2 $0x1  }
0x17: {  	s4 =	simm.s32 $0x1BF5;
	[smem:$0x3FBB] =	sst s0  }
0x18: {  	s0 =	sld [smem:$0x3F9E];
	_ =	swait.ge [sflag:s4], $0x0  }
0x19: {  	s7 =	sld [smem:$0x3F9F]  }
0x1a: {  	s8 =	sadd.s32 $0xFFFFE003, lr  }
0x1b: {  	s9 =	sadd.s32 $0xFFFFFEF7, lr;
	s5 =	simm.s32 $0xFFFFFFFF;
	p2 =	slt.u32 s8, $0xFFFFF086  }
0x1c: {  	p1 =	slt.u32 s9, $0xF7A;
	s5 =	simm.s32 @!p2 $0x0  }
0x1d: {  	s5 =	simm.s32 @p1 $0x1;
	p0 =	seq.s32 s7, s2  }
0x1e: {  	s7 =	smul.u32 @!p0 $0xF7A, s2;
	p2 =	seq.s32 @!p0 s5, $0x0  }
0x1f: {  	s9 =	smul.u32 $0xF7A, s1;
	s8 =	simm.s32 @!p0 $0x1BF5;
	p2 =	por !p2, p0  }
0x20: {  	[sflag:s8] =	ssyncset.s32 @!p0 $0xFFFFF086;
	s6 =	sadd.s32 @!p0 s3, s7;
	s7 =	simm.s32 @!p0 $0x108  }
0x21: {  	s3 =	sadd.s32 s3, s9;
	s6 =	sadd.s32 @!p0 $0x88, s6;
	s7 =	simm.s32 @p2 $0x1082  }
0x22: {  	[simem:s7], [sflag:s8] =	dma.local @!p0 [hbm:s6], $0xF7A  }
0x23: {  	s9 =	sor.u32 $0xD0000000, s2;
	s6 =	simm.s32 $0x108;
	_ =	swait.ge @!p0 [sflag:s8], $0x0  }
0x24: {  	s3 =	sadd.s32 $0x88, s3;
	s6 =	simm.s32 @!p1 $0x1082;
	[sflag:s4] =	ssyncset.s32 $0xFFFFF086  }
0x25: {  	[simem:s6], [sflag:s4] =	dma.local [hbm:s3], $0xF7A  }
0x26: {  	[smem:$0x3F9F] =	sst s1;
	(tag) =	ssettag s2;
	_ =	strace s9  }
0x27: {  	s1 =	sld [smem:$0x3FAF]  }
0x28: {  	s2 =	sld [smem:$0x3FB0]  }
0x29: {  	s4 =	sld [smem:$0x3FB2]  }
0x2a: {  	p0 =	seq.s32 s5, $0x0;
	s5 =	sld [smem:$0x3FB3]  }
0x2b: {  	s6 =	sld [smem:$0x3FB4]  }
0x2c: {  	s7 =	sld [smem:$0x3FB5]  }
0x2d: {  	s3 =	simm.s32 $0x108;
	s8 =	sld [smem:$0x3FB6]  }
0x2e: {  	s3 =	simm.s32 @!p0 $0x1082;
	s9 =	sld [smem:$0x3FB7]  }
0x2f: {  	lr =	sadd.s32 s0, s3;
	s0 =	sld [smem:$0x3FAE]  }
0x30: {  	s3 =	sld [smem:$0x3FB1]  }
0x31: {  	[smem:$0x3FBA] =	sst s10  }
0x32: {  	s10 =	sld [smem:$0x3FB8];
	_ =	sdelay $0x3  }
0x33: {  	p0 =	seq.s32 s10, $0x1;
	s10 =	sld [smem:$0x3FBA];
	_ =	sdelay $0x3  }
0x34: {  	[smem:$0x3FBA] =	sst s10  }
0x35: {  	s10 =	sld [smem:$0x3FB9];
	_ =	sdelay $0x3  }
0x36: {  	p1 =	seq.s32 s10, $0x1;
	s10 =	sld [smem:$0x3FBA];
	_ =	sdelay $0x3  }
0x37: {  	[smem:$0x3FBA] =	sst s10  }
0x38: {  	s10 =	sld [smem:$0x3FBB]  }
0x39: {  	_ = 	snop;
	(pc) =	sbr.ind lr, $3  }
0x3a: {  	_ = 	snop  }
0x3b: {  	_ = 	snop  }
0x3c: {  	p2 =	seq.s32 s10, $0x1;
	s10 =	sld [smem:$0x3FBA]  }
0x3d: {  	_ =	shalt  }
0x3e: {  	_ =	shalt  }
0x3f: {  	_ =	shalt  }
0x40: {  	_ =	shalt  }
0x41: {  	_ =	shalt  }
0x42: {  	_ =	shalt  }
0x43: {  	_ =	shalt  }
0x44: {  	_ =	shalt  }
0x45: {  	_ =	shalt  }
0x46: {  	_ =	shalt  }
0x47: {  	_ =	shalt  }
0x48: {  	_ =	shalt  }
0x49: {  	_ =	shalt  }
0x4a: {  	_ =	shalt  }
0x4b: {  	_ =	shalt  }
0x4c: {  	_ =	shalt  }
0x4d: {  	_ =	shalt  }
0x4e: {  	_ =	shalt  }
0x4f: {  	_ =	shalt  }
0x50: {  	_ =	shalt  }
0x51: {  	_ =	shalt  }
0x52: {  	_ =	shalt  }
0x53: {  	_ =	shalt  }
0x54: {  	_ =	shalt  }
0x55: {  	_ =	shalt  }
0x56: {  	_ =	shalt  }
0x57: {  	_ =	shalt  }
0x58: {  	_ =	shalt  }
0x59: {  	_ =	shalt  }
0x5a: {  	_ =	shalt  }
0x5b: {  	_ =	shalt  }
0x5c: {  	_ =	shalt  }
0x5d: {  	_ =	shalt  }
0x5e: {  	_ =	shalt  }
0x5f: {  	_ =	shalt  }
0x60: {  	_ =	shalt  }
0x61: {  	_ =	shalt  }
0x62: {  	_ =	shalt  }
0x63: {  	_ =	shalt  }
0x64: {  	_ =	shalt  }
0x65: {  	_ =	shalt  }
0x66: {  	_ =	shalt  }
0x67: {  	_ =	shalt  }
0x68: {  	_ =	shalt  }
0x69: {  	_ =	shalt  }
0x6a: {  	_ =	shalt  }
0x6b: {  	_ =	shalt  }
0x6c: {  	_ =	shalt  }
0x6d: {  	_ =	shalt  }
0x6e: {  	_ =	shalt  }
0x6f: {  	_ =	shalt  }
0x70: {  	_ =	shalt  }
0x71: {  	_ =	shalt  }
0x72: {  	_ =	shalt  }
0x73: {  	_ =	shalt  }
0x74: {  	_ =	shalt  }
0x75: {  	_ =	shalt  }
0x76: {  	_ =	shalt  }
0x77: {  	_ =	shalt  }
0x78: {  	_ =	shalt  }
0x79: {  	_ =	shalt  }
0x7a: {  	_ =	shalt  }
0x7b: {  	_ =	shalt  }
0x7c: {  	_ =	shalt  }
0x7d: {  	_ =	shalt  }
0x7e: {  	_ =	shalt  }
0x7f: {  	_ =	shalt  }
0x80: {  	_ =	shalt  }
0x81: {  	_ =	shalt  }
0x82: {  	_ =	shalt  }
0x83: {  	_ =	shalt  }
0x84: {  	_ =	shalt  }
0x85: {  	_ =	shalt  }
0x86: {  	_ =	shalt  }
0x87: {  	_ =	shalt  }
.Lfunc_end0:
.L_simem_size_0:
called_computation_lowered:
.L_overlay_start_0:
0x88: {  	s2 =	sld [smem:$0x3FD9]  }
0x89: {  	s3 =	sld [smem:$0x3FFE];
	_ =	sdelay $0x1  }
0x8a: {  	s1 =	srdreg.scid  }
0x8b: {  	s0 =	sand.u32 $0x1, s1  }
0x8c: {  	s17 =	sshll.u32 s0, $0xA;
	s2 =	sadd.s32 s3, s2  }
0x8d: {  	s2 =	sadd.s32 s2, s17  }
0x8e: {  	[smem:$0x3FC6] =	sst s2  }
0x8f: {  	_ = 	snop  }
0x90: {  	s2 =	sld [smem:$0x3FC9]  }
0x91: {  	s18 =	sld [smem:$0x3FD0];
	(tm) =	ssettm $0x1  }
0x92: {  	s4 =	sld [smem:$0x3FFB];
	_ =	sdelay $0x3  }
0x93: {  	_ =	strace s4  }
0x94: {  	s4 =	sld [smem:$0x3FFC];
	_ =	sdelay $0x3  }
0x95: {  	_ =	strace s4  }
0x96: {  	s4 =	sld [smem:$0x3FFD];
	_ =	sdelay $0x3  }
0x97: {  	_ =	strace s4  }
0x98: {  	_ =	strace $0x8FFFFFFF  }
0x99: {  	s19 =	sld [smem:$0x3FDB];
	_ =	sdelay $0x1  }
0x9a: {  	s5 =	simm.s32 $_scs_section_size  }
0x9b: {  	s6 =	simm.s32 $_size__tile_overlayer_lowered;
	s7 =	simm.s32 $_tile_overlayer_lowered  }
0x9c: {  	s22 =	simm.s32 $0x1BFF;
	s21 =	sshll.u32 s7, $0x1;
	s4 =	sadd.s32 s5, s19  }
0x9d: {  	s8 =	simm.s32 $0x0;
	s20 =	sshll.u32 s6, $0x1;
	s6 =	sadd.s32 s21, s4  }
0x9e: {  	[timem:s8], [sflag:s22] =	dma.local [hbm:s6], s20  }
0x9f: {  	_ =	swait.ge [sflag:s22], s20  }
0xa0: {  	s5 =	ssub.s32 $0x0, s20;
	[sflag:s22] =	ssyncset.done $0x0  }
0xa1: {  	[sflag:s22] =	ssyncadd.s32 s5;
	_ =	sdelay $0x1  }
0xa2: {  	s23 =	simm.s32 $0x1B8B  }
0xa3: {  	_ =	swait.ge [sflag:s23], $0x1  }
0xa4: {  	[sflag:s23] =	ssyncset.done $0x0  }
0xa5: {  	s25 =	simm.s32 $0x1B8E;
	s24 =	sld [smem:$0x3FFE];
	[sflag:s23] =	ssyncadd.s32 $0xFFFFFFFF  }
0xa6: {  	s26 =	simm.s32 $execute0_lowered;
	[smem:$0x3FD2] =	sst s25  }
0xa7: {  	s6 =	sshll.u32 s26, $0x1;
	_ =	strace $0x80000046;
	[dreg:$0x1] =	wrdreg $0xFFFFFFFF  }
0xa8: {  	s28 =	simm.s32 $_size_execute0_lowered;
	s4 =	sadd.s32 s4, s6;
	[dreg:$0x0] =	wrdreg $0x0  }
0xa9: {  	s6 =	sshll.u32 s28, $0x1;
	[dreg:$0x2] =	wrdreg s4  }
0xaa: {  	[dreg:$0x3] =	wrdreg s6  }
0xab: {  	[dreg:$0x4] =	wrdreg $0xC0  }
0xac: {  	_ =	task [dreg:s8], $0x5FFFF  }
0xad: {  	[dreg:$0x1] =	wrdreg $0xFFFFFFFF  }
0xae: {  	[dreg:$0x0] =	wrdreg $0x60  }
0xaf: {  	[dreg:$0x2] =	wrdreg s2  }
0xb0: {  	[dreg:$0x3] =	wrdreg s24  }
0xb1: {  	[dreg:$0x4] =	wrdreg s18  }
0xb2: {  	[dreg:$0x5] =	wrdreg $0x9  }
0xb3: {  	_ =	task.clear_ibuf [dreg:s8], $0x6FFFF;
	_ =	strace $0x90000046  }
0xb4: {  	s29 =	simm.s32 $0x9;
	_ =	strace $0x80000048  }
0xb5: {  	_ =	swait.ge [sflag:s29], $0x1  }
0xb6: {  	[sflag:s29] =	ssyncadd.s32 $0xFFFFFFFF  }
0xb7: {  	_ =	strace $0x90000048  }
0xb8: {  	_ =	sfence  }
0xb9: {  	s30 =	sld [smem:$0x0];
	_ =	sdelay $0x2  }
0xba: {  	s31 =	sshll.u32 s1, $0xD;
	s1 =	sshrl.u32 s1, $0x2  }
0xbb: {  	s3 =	sand.u32 $0x4000, s31;
	s1 =	sadd.s32 s1, s30  }
0xbc: {  	s0 =	sor.u32 s3, s0;
	s1 =	sshll.u32 s1, $0x11  }
0xbd: {  	s0 =	sor.u32 s1, s0  }
0xbe: {  	s0 =	sadd.s32 $0x8F2B, s0  }
0xbf: {  	[sflag:s0] =	ssyncadd.remote.s32 $0x1  }
0xc0: {  	_ =	sfence.sel $0xFFFF  }
0xc1: {  	[dreg:$0x0] =	wrdreg $0xFFFFFFFF;
	(pc) =	sbr.abs _section_cstart, $3  }
0xc2: {  	[dreg:$0x1] =	wrdreg $0xFFFFFFFF  }
0xc3: {  	_ =	task.clear_ibuf [dreg:s8], $0x2FFFF;
	_ =	strace $0x9FFFFFFF  }
0xc4: {  	(tm) =	ssettm $0x7FFFFFFF  }
0xc5: {  	_ =	shalt  }
tec
execute0_lowered:
.L_overlay_start_1:
0x0: {  	(tag) =	ssettag $0x1  }
0x1: {  	s1 =	rddreg [dreg:$0x0]  }
0x2: {  	s6 =	rddreg [dreg:$0x1]  }
0x3: {  	s2 =	rddreg [dreg:$0x2]  }
0x4: {  	s0 =	rddreg [dreg:$0x3];
	s4 =	simm.s32 $0x0;
	s5 =	srdreg.scid  }
0x5: {  	s3 =	stileid.u32;
	s10 =	simm.s32 $0x5;
	s11 =	simm.s32 $0x2000  }
0x6: {  	s12 =	simm.s32 $0x1;
	s13 =	simm.s32 $0x4000;
	s14 =	simm.s32 $0x2  }
0x7: {  	s15 =	simm.s32 $0x4;
	s16 =	simm.s32 $0x6000;
	s17 =	simm.s32 $0x3  }
0x8: {  	s18 =	simm.s32 $0x0;
	[smem:$0x7FF] =	sst s4;
	s5 =	sand.u32 $0x1, s5  }
0x9: {  	s8 =	sshll.u32 s3, $0x13;
	s7 =	ssub.s32 $0x2, s5;
	s5 =	sshll.u32 s5, $0x12  }
0xa: {  	s6 =	sadd.s32 $0x800, s6;
	s9 =	sshrl.u32 s7, $0x1;
	s5 =	sor.u32 s5, s8  }
0xb: {  	_ =	strace $0x80000047;
	s30 =	ssub.s32 s7, s9;
	s31 =	sshrl.u32 s5, $0x3  }
0xc: {  	v0 =	vimm.s32 $0x0;
	s9 =	simm.s32 $0x8000;
	s7 =	sadd.s32 s1, s31;
	s8 =	smax.u32 s30, $0x1  }
.LBB2_1:
0xd: {  	[tilespmem:s9], [sflag:$0x5] =	stream.linear.gather [hbm4b:s6+s4], $0x200, $0x38;
	[tilespmem:$0x8200] =	vst v63  }
0xe: {  	_ =	swait.ge [sflag:s10], $0x200  }
0xf: {  	[sflag:s10] =	ssyncset.done $0x0  }
0x10: {  	[sflag:s10] =	ssyncadd.s32 $0xFFFFFE00  }
0x11: {  	v1 =	vld [tilespmem:$0x8000]  }
0x12: {  	v2 =	vld [tilespmem:$0x8100]  }
0x13: {  	s19 =	simm.s32 $0x0;
	v3 =	vld [tilespmem:$0x8180]  }
0x14: {  	v4 =	vld [tilespmem:$0x8080];
	[tilespmem:s4], [sflag:$0x1] =	stream.linear.gather [hbm4b:s7+s4], $0x2000, $0x38  }
.LBB2_2:
0x15: {  	s20 =	sshll.u32 s19, $0xE  }
0x16: {  	s20 =	sadd.s32 s5, s20  }
0x17: {  	s21 =	sshrl.u32 s20, $0x3  }
0x18: {  	s20 =	sor.u32 $0x400, s21  }
0x19: {  	s22 =	sadd.s32 s1, s20  }
0x1a: {  	[tilespmem:s11], [sflag:$0x2] =	stream.linear.gather [hbm4b:s22+s4], $0x2000, $0x38;
	[tilespmem:$0x8200] =	vst v63  }
0x1b: {  	_ =	swait.ge [sflag:s12], $0x2000  }
0x1c: {  	p0 =	seq.s32 s19, $0x0;
	[sflag:s12] =	ssyncset.done $0x0  }
0x1d: {  	s22 =	simm.s32 @!p0 $0x3;
	[sflag:s12] =	ssyncadd.s32 $0xFFFFE000  }
0x1e: {  	_ =	swait.ge @!p0 [sflag:s22], $0x2000  }
0x1f: {  	[sflag:s22] =	ssyncset.done @!p0 $0x0  }
0x20: {  	s30 =	simm.s32 $0x20;
	[sflag:s22] =	ssyncadd.s32 @!p0 $0xFFFFE000  }
0x21: {  	v5 =	vld [tilespmem:s30+$0x10]  }
0x22: {  	v10 =	vld [tilespmem:s30+$0xFFFFFFF0]  }
0x23: {  	v12 =	vld [tilespmem:s30+$0x0]  }
0x24: {  	v13 =	vld [tilespmem:s30+$0xFFFFFFE0];
	_ =	sdelay $0x2  }
0x25: {  	vm0 =	vlt.f32 v4, v5;
	vm1 =	vlt.f32 v4, v10;
	vm2 =	vlt.f32 v3, v5  }
0x26: {  	v6 =	vsel vm0, $0x4, v0;
	v7 =	vsel vm1, $0x4, v0;
	vm0 =	vlt.f32 v4, v12  }
0x27: {  	s31 =	simm.s32 $0x60;
	vm1 =	vlt.f32 v4, v13;
	v6 =	vsel vm2, $0x8, v6;
	v8 =	vsel vm0, $0x4, v0  }
0x28: {  	v19 =	vld [tilespmem:s31+$0x10];
	vm0 =	vlt.f32 v3, v13;
	v11 =	vsel vm1, $0x4, v0;
	v9 =	vperm.xlane v2, v6  }
0x29: {  	vm1 =	vlt.f32 v3, v10;
	v11 =	vsel vm0, $0x8, v11  }
0x2a: {  	vm0 =	vlt.f32 v3, v12;
	v14 =	vperm.xlane v2, v11;
	vm2 =	vlt.f32 v9, v5  }
0x2b: {  	v15 =	vsel vm0, $0x8, v8;
	v9 =	vsel vm1, $0x8, v7;
	v7 =	vsel vm2, $0x2, v0  }
0x2c: {  	v8 =	vperm.xlane v2, v9;
	v16 =	vor.u32 v7, v6;
	v6 =	vperm.xlane v2, v15  }
0x2d: {  	vm4 =	vlt.f32 v3, v19;
	vm0 =	vlt.f32 v14, v13;
	v7 =	vperm.xlane v1, v16  }
0x2e: {  	vm1 =	vlt.f32 v8, v10;
	v8 =	vsel vm0, $0x2, v0;
	vm0 =	vlt.f32 v6, v12  }
0x2f: {  	v6 =	vsel vm1, $0x2, v0;
	vm2 =	vlt.f32 v7, v5;
	v7 =	vld [tilespmem:s31+$0xFFFFFFF0];
	v5 =	vor.u32 v8, v11  }
0x30: {  	v14 =	vsel vm0, $0x2, v0;
	v8 =	vor.u32 v6, v9;
	v11 =	vld [tilespmem:s31+$0xFFFFFFE0];
	v17 =	vperm.xlane v1, v5  }
0x31: {  	v6 =	vld [tilespmem:s31+$0x0];
	v18 =	vperm.xlane v1, v8;
	v9 =	vor.u32 v14, v15;
	v14 =	vsel vm2, $0x1, v0  }
0x32: {  	vm2 =	vlt.f32 v4, v19;
	v15 =	vperm.xlane v1, v9;
	vm0 =	vlt.f32 v17, v13  }
0x33: {  	v20 =	vor.u32 v14, v16;
	vm1 =	vlt.f32 v18, v10;
	v10 =	vsel vm0, $0x1, v0  }
0x34: {  	vm3 =	vlt.f32 v15, v12;
	v12 =	vsel vm2, $0x4, v0;
	vm0 =	vlt.f32 v4, v7  }
0x35: {  	v15 =	vsel vm4, $0x8, v12;
	vm2 =	vlt.f32 v4, v11;
	v13 =	vsel vm0, $0x4, v0  }
0x36: {  	vm0 =	vlt.f32 v4, v6;
	v16 =	vperm.xlane v2, v15;
	v14 =	vsel vm2, $0x4, v0  }
0x37: {  	vm2 =	vlt.f32 v3, v7;
	v12 =	vsel vm0, $0x4, v0;
	vm0 =	vlt.f32 v3, v11  }
0x38: {  	v14 =	vsel vm0, $0x8, v14;
	vm0 =	vlt.f32 v3, v6;
	vm15 =	vlt.f32 v16, v19  }
0x39: {  	v16 =	vsel vm2, $0x8, v13;
	v13 =	vsel vm15, $0x2, v0;
	v18 =	vperm.xlane v2, v14  }
0x3a: {  	v12 =	vsel vm0, $0x8, v12;
	v21 =	vperm.xlane v2, v16;
	v17 =	vor.u32 v13, v15  }
0x3b: {  	v22 =	vperm.xlane v2, v12;
	v15 =	vsel vm1, $0x1, v0;
	v23 =	vperm.xlane v1, v17  }
0x3c: {  	s23 =	simm.s32 $0x4020;
	v13 =	vsel vm3, $0x1, v0;
	vm2 =	vlt.f32 v18, v11;
	vm0 =	vlt.f32 v21, v7  }
0x3d: {  	s24 =	simm.s32 $0x4;
	s25 =	simm.s32 $0xA0;
	s22 =	simm.s32 $0x4020;
	[tilespmem:s23+$0x10] =	vst v20;
	v18 =	vsel vm2, $0x2, v0;
	vm1 =	vlt.f32 v22, v6;
	vm2 =	vlt.f32 v23, v19  }
.LBB2_3:
0x3e: {  	v19 =	vld [tilespmem:s25+$0x10];
	s24 =	sadd.s32 $0x4, s24;
	v20 =	vsel vm0, $0x2, v0;
	v21 =	vsel vm1, $0x2, v0;
	v22 =	vsel vm2, $0x1, v0  }
0x3f: {  	v14 =	vor.u32 v18, v14;
	s23 =	sadd.s32 $0x40, s23;
	v23 =	vld [tilespmem:s25+$0xFFFFFFF0];
	p1 =	slt.u32 s24, $0x1FC;
	v16 =	vor.u32 v20, v16;
	v17 =	vor.u32 v22, v17  }
0x40: {  	v20 =	vperm.xlane v1, v14;
	v12 =	vor.u32 v21, v12;
	v18 =	vld [tilespmem:s25+$0x0];
	v22 =	vperm.xlane v1, v16;
	[tilespmem:s23+$0x10] =	vst v17  }
0x41: {  	v10 =	vor.u32 v10, v5;
	v15 =	vor.u32 v15, v8;
	v5 =	vmovc v14;
	v21 =	vperm.xlane v1, v12;
	v17 =	vld [tilespmem:s25+$0xFFFFFFE0]  }
0x42: {  	v9 =	vor.u32 v13, v9;
	vm1 =	vlt.f32 v20, v11;
	vm0 =	vlt.f32 v22, v7;
	[tilespmem:s22+$0xFFFFFFE0] =	vst v10  }
0x43: {  	v8 =	vmovc v16;
	v10 =	vsel vm1, $0x1, v0;
	vm1 =	vlt.f32 v21, v6;
	vm2 =	vlt.f32 v4, v19;
	[tilespmem:s22+$0xFFFFFFF0] =	vst v15  }
0x44: {  	vm4 =	vlt.f32 v3, v19;
	vm3 =	vlt.f32 v4, v23;
	v14 =	vsel vm2, $0x4, v0;
	[tilespmem:s22+$0x0] =	vst v9;
	v7 =	vmovc v23;
	s22 =	smov.u32 s23  }
0x45: {  	v9 =	vmovc v12;
	v13 =	vsel vm3, $0x4, v0;
	vm2 =	vlt.f32 v4, v18;
	v15 =	vsel vm4, $0x8, v14;
	v6 =	vmovc v18  }
0x46: {  	vm3 =	vlt.f32 v4, v17;
	v12 =	vsel vm2, $0x4, v0;
	v16 =	vperm.xlane v2, v15;
	v11 =	vmovc v17  }
0x47: {  	vm2 =	vlt.f32 v3, v11;
	v14 =	vsel vm3, $0x4, v0;
	vm3 =	vlt.f32 v3, v7  }
0x48: {  	v14 =	vsel vm2, $0x8, v14;
	vm2 =	vlt.f32 v3, v6;
	vm4 =	vlt.f32 v16, v19  }
.Ltmp0:
0x49: {  	v16 =	vsel vm3, $0x8, v13;
	v12 =	vsel vm2, $0x8, v12;
	v13 =	vsel vm4, $0x2, v0;
	(pc) =	sbr.rel @p1 .LBB2_3-.Ltmp0, $4  }
0x4a: {  	v18 =	vperm.xlane v2, v14;
	v20 =	vperm.xlane v2, v16;
	v17 =	vor.u32 v13, v15  }
0x4b: {  	v21 =	vperm.xlane v2, v12;
	v15 =	vsel vm0, $0x1, v0;
	v22 =	vperm.xlane v1, v17  }
0x4c: {  	v13 =	vsel vm1, $0x1, v0;
	vm2 =	vlt.f32 v18, v11;
	vm0 =	vlt.f32 v20, v7  }
0x4d: {  	s25 =	sadd.s32 $0x40, s25;
	v18 =	vsel vm2, $0x2, v0;
	vm1 =	vlt.f32 v21, v6;
	vm2 =	vlt.f32 v22, v19  }
0x4e: {  	v19 =	vsel vm0, $0x2, v0  }
0x4f: {  	v20 =	vsel vm1, $0x2, v0;
	v21 =	vsel vm2, $0x1, v0;
	v14 =	vor.u32 v18, v14  }
0x50: {  	v5 =	vor.u32 v10, v5;
	v16 =	vor.u32 v19, v16;
	v18 =	vperm.xlane v1, v14  }
0x51: {  	v8 =	vor.u32 v15, v8;
	v12 =	vor.u32 v20, v12;
	[tilespmem:s22+$0xFFFFFFE0] =	vst v5;
	v19 =	vperm.xlane v1, v16  }
0x52: {  	s23 =	sadd.s32 $0x40, s23;
	v17 =	vor.u32 v21, v17;
	[tilespmem:s22+$0xFFFFFFF0] =	vst v8;
	v63 =	vperm.xlane v1, v12;
	vm13 =	vlt.f32 v18, v11  }
0x53: {  	p1 =	sne.s32 s19, $0xF;
	v5 =	vor.u32 v13, v9;
	[tilespmem:s23+$0x10] =	vst v17;
	vm14 =	vlt.f32 v19, v7;
	v7 =	vsel vm13, $0x1, v0  }
.Ltmp1:
0x54: {  	[tilespmem:s22+$0x0] =	vst v5;
	vm15 =	vlt.f32 v63, v6;
	v5 =	vsel vm14, $0x1, v0;
	v6 =	vor.u32 v7, v14;
	(pc) =	sbr.rel @p1 .LBB2_6-.Ltmp1, $4  }
0x55: {  	v7 =	vsel vm15, $0x1, v0;
	v5 =	vor.u32 v5, v16;
	[tilespmem:s23+$0xFFFFFFE0] =	vst v6  }
0x56: {  	v6 =	vor.u32 v7, v12;
	[tilespmem:s23+$0xFFFFFFF0] =	vst v5  }
0x57: {  	s31 =	sadd.s32 s2, s21;
	[tilespmem:s23+$0x0] =	vst v6  }
0x58: {  	[hbm4b:s31+s4] =	stream.linear.scatter [tilespmem:s13], [sflag:$0x3], $0x2000, $0x38;
	[tilespmem:$0x8200] =	vst v63  }
.Ltmp2:
0x59: {  	(pc) =	sbr.rel .LBB2_7-.Ltmp2, $4  }
0x5a: {  	_ = 	snop  }
0x5b: {  	_ =	swait.ge [sflag:s14], $0x2000  }
0x5c: {  	[sflag:s14] =	ssyncset.done $0x0  }
0x5d: {  	[sflag:s14] =	ssyncadd.s32 $0xFFFFE000  }
.LBB2_6:
0x5e: {  	s21 =	sadd.s32 s1, s21  }
.Ltmp3:
0x5f: {  	s21 =	sadd.s32 $0x800, s21;
	(pc) =	sbr.rel @p0 .LBB2_8-.Ltmp3, $4  }
0x60: {  	[tilespmem:s4], [sflag:$0x1] =	stream.linear.gather [hbm4b:s21+s4], $0x2000, $0x38;
	[tilespmem:$0x8200] =	vst v63  }
0x61: {  	_ =	swait.ge [sflag:s14], $0x2000  }
0x62: {  	[sflag:s14] =	ssyncset.done $0x0  }
0x63: {  	[sflag:s14] =	ssyncadd.s32 $0xFFFFE000  }
.LBB2_7:
0x64: {  	_ =	swait.ge [sflag:s15], $0x2000  }
0x65: {  	[sflag:s15] =	ssyncset.done $0x0  }
0x66: {  	[sflag:s15] =	ssyncadd.s32 $0xFFFFE000  }
.LBB2_8:
0x67: {  	s21 =	simm.s32 $0x2020  }
0x68: {  	v5 =	vld [tilespmem:s21+$0x10]  }
0x69: {  	v10 =	vld [tilespmem:s21+$0xFFFFFFF0]  }
0x6a: {  	v12 =	vld [tilespmem:s21+$0x0]  }
0x6b: {  	v13 =	vld [tilespmem:s21+$0xFFFFFFE0];
	_ =	sdelay $0x2  }
0x6c: {  	vm0 =	vlt.f32 v4, v5;
	vm1 =	vlt.f32 v4, v10;
	vm2 =	vlt.f32 v3, v5  }
0x6d: {  	v6 =	vsel vm0, $0x4, v0;
	v7 =	vsel vm1, $0x4, v0;
	vm0 =	vlt.f32 v4, v12  }
0x6e: {  	s31 =	simm.s32 $0x2060;
	vm1 =	vlt.f32 v4, v13;
	v6 =	vsel vm2, $0x8, v6;
	v8 =	vsel vm0, $0x4, v0  }
0x6f: {  	v19 =	vld [tilespmem:s31+$0x10];
	vm0 =	vlt.f32 v3, v13;
	v11 =	vsel vm1, $0x4, v0;
	v9 =	vperm.xlane v2, v6  }
0x70: {  	vm1 =	vlt.f32 v3, v10;
	v11 =	vsel vm0, $0x8, v11  }
0x71: {  	vm0 =	vlt.f32 v3, v12;
	v14 =	vperm.xlane v2, v11;
	vm2 =	vlt.f32 v9, v5  }
0x72: {  	v15 =	vsel vm0, $0x8, v8;
	v9 =	vsel vm1, $0x8, v7;
	v7 =	vsel vm2, $0x2, v0  }
0x73: {  	v8 =	vperm.xlane v2, v9;
	v16 =	vor.u32 v7, v6;
	v6 =	vperm.xlane v2, v15  }
0x74: {  	vm4 =	vlt.f32 v3, v19;
	vm0 =	vlt.f32 v14, v13;
	v7 =	vperm.xlane v1, v16  }
0x75: {  	vm1 =	vlt.f32 v8, v10;
	v8 =	vsel vm0, $0x2, v0;
	vm0 =	vlt.f32 v6, v12  }
0x76: {  	v6 =	vsel vm1, $0x2, v0;
	vm2 =	vlt.f32 v7, v5;
	v7 =	vld [tilespmem:s31+$0xFFFFFFF0];
	v5 =	vor.u32 v8, v11  }
0x77: {  	v14 =	vsel vm0, $0x2, v0;
	v8 =	vor.u32 v6, v9;
	v11 =	vld [tilespmem:s31+$0xFFFFFFE0];
	v17 =	vperm.xlane v1, v5  }
0x78: {  	v6 =	vld [tilespmem:s31+$0x0];
	v18 =	vperm.xlane v1, v8;
	v9 =	vor.u32 v14, v15;
	v14 =	vsel vm2, $0x1, v0  }
0x79: {  	vm2 =	vlt.f32 v4, v19;
	v15 =	vperm.xlane v1, v9;
	vm0 =	vlt.f32 v17, v13  }
0x7a: {  	v20 =	vor.u32 v14, v16;
	vm1 =	vlt.f32 v18, v10;
	v10 =	vsel vm0, $0x1, v0  }
0x7b: {  	vm3 =	vlt.f32 v15, v12;
	v12 =	vsel vm2, $0x4, v0;
	vm0 =	vlt.f32 v4, v7  }
0x7c: {  	v15 =	vsel vm4, $0x8, v12;
	vm2 =	vlt.f32 v4, v11;
	v13 =	vsel vm0, $0x4, v0  }
0x7d: {  	vm0 =	vlt.f32 v4, v6;
	v16 =	vperm.xlane v2, v15;
	v14 =	vsel vm2, $0x4, v0  }
0x7e: {  	vm2 =	vlt.f32 v3, v7;
	v12 =	vsel vm0, $0x4, v0;
	vm0 =	vlt.f32 v3, v11  }
0x7f: {  	v14 =	vsel vm0, $0x8, v14;
	vm0 =	vlt.f32 v3, v6;
	vm15 =	vlt.f32 v16, v19  }
0x80: {  	v16 =	vsel vm2, $0x8, v13;
	v13 =	vsel vm15, $0x2, v0;
	v18 =	vperm.xlane v2, v14  }
0x81: {  	v12 =	vsel vm0, $0x8, v12;
	v21 =	vperm.xlane v2, v16;
	v17 =	vor.u32 v13, v15  }
0x82: {  	v22 =	vperm.xlane v2, v12;
	v15 =	vsel vm1, $0x1, v0;
	v23 =	vperm.xlane v1, v17  }
0x83: {  	s22 =	simm.s32 $0x6020;
	v13 =	vsel vm3, $0x1, v0;
	vm2 =	vlt.f32 v18, v11;
	vm0 =	vlt.f32 v21, v7  }
0x84: {  	s23 =	simm.s32 $0x4;
	s24 =	simm.s32 $0x20A0;
	s21 =	simm.s32 $0x6020;
	[tilespmem:s22+$0x10] =	vst v20;
	v18 =	vsel vm2, $0x2, v0;
	vm1 =	vlt.f32 v22, v6;
	vm2 =	vlt.f32 v23, v19  }
.LBB2_9:
0x85: {  	v19 =	vld [tilespmem:s24+$0x10];
	s23 =	sadd.s32 $0x4, s23;
	v20 =	vsel vm0, $0x2, v0;
	v21 =	vsel vm1, $0x2, v0;
	v22 =	vsel vm2, $0x1, v0  }
0x86: {  	v14 =	vor.u32 v18, v14;
	s22 =	sadd.s32 $0x40, s22;
	v23 =	vld [tilespmem:s24+$0xFFFFFFF0];
	p0 =	slt.u32 s23, $0x1FC;
	v16 =	vor.u32 v20, v16;
	v17 =	vor.u32 v22, v17  }
0x87: {  	v20 =	vperm.xlane v1, v14;
	v12 =	vor.u32 v21, v12;
	v18 =	vld [tilespmem:s24+$0x0];
	v22 =	vperm.xlane v1, v16;
	[tilespmem:s22+$0x10] =	vst v17  }
0x88: {  	v10 =	vor.u32 v10, v5;
	v15 =	vor.u32 v15, v8;
	v5 =	vmovc v14;
	v21 =	vperm.xlane v1, v12;
	v17 =	vld [tilespmem:s24+$0xFFFFFFE0]  }
0x89: {  	v9 =	vor.u32 v13, v9;
	vm1 =	vlt.f32 v20, v11;
	vm0 =	vlt.f32 v22, v7;
	[tilespmem:s21+$0xFFFFFFE0] =	vst v10  }
0x8a: {  	v8 =	vmovc v16;
	v10 =	vsel vm1, $0x1, v0;
	vm1 =	vlt.f32 v21, v6;
	vm2 =	vlt.f32 v4, v19;
	[tilespmem:s21+$0xFFFFFFF0] =	vst v15  }
0x8b: {  	vm4 =	vlt.f32 v3, v19;
	vm3 =	vlt.f32 v4, v23;
	v14 =	vsel vm2, $0x4, v0;
	[tilespmem:s21+$0x0] =	vst v9;
	v7 =	vmovc v23;
	s21 =	smov.u32 s22  }
0x8c: {  	v9 =	vmovc v12;
	v13 =	vsel vm3, $0x4, v0;
	vm2 =	vlt.f32 v4, v18;
	v15 =	vsel vm4, $0x8, v14;
	v6 =	vmovc v18  }
0x8d: {  	vm3 =	vlt.f32 v4, v17;
	v12 =	vsel vm2, $0x4, v0;
	v16 =	vperm.xlane v2, v15;
	v11 =	vmovc v17  }
0x8e: {  	vm2 =	vlt.f32 v3, v11;
	v14 =	vsel vm3, $0x4, v0;
	vm3 =	vlt.f32 v3, v7  }
0x8f: {  	v14 =	vsel vm2, $0x8, v14;
	vm2 =	vlt.f32 v3, v6;
	vm4 =	vlt.f32 v16, v19  }
.Ltmp4:
0x90: {  	v16 =	vsel vm3, $0x8, v13;
	v12 =	vsel vm2, $0x8, v12;
	v13 =	vsel vm4, $0x2, v0;
	(pc) =	sbr.rel @p0 .LBB2_9-.Ltmp4, $4  }
0x91: {  	v18 =	vperm.xlane v2, v14;
	v20 =	vperm.xlane v2, v16;
	v17 =	vor.u32 v13, v15  }
0x92: {  	v21 =	vperm.xlane v2, v12;
	v15 =	vsel vm0, $0x1, v0;
	v22 =	vperm.xlane v1, v17  }
0x93: {  	v13 =	vsel vm1, $0x1, v0;
	vm2 =	vlt.f32 v18, v11;
	vm0 =	vlt.f32 v20, v7  }
0x94: {  	s24 =	sadd.s32 $0x40, s24;
	v18 =	vsel vm2, $0x2, v0;
	vm1 =	vlt.f32 v21, v6;
	vm2 =	vlt.f32 v22, v19  }
0x95: {  	v19 =	vsel vm0, $0x2, v0  }
0x96: {  	v20 =	vsel vm1, $0x2, v0;
	v21 =	vsel vm2, $0x1, v0;
	v14 =	vor.u32 v18, v14  }
0x97: {  	v5 =	vor.u32 v10, v5;
	v16 =	vor.u32 v19, v16;
	v18 =	vperm.xlane v1, v14  }
0x98: {  	v8 =	vor.u32 v15, v8;
	v12 =	vor.u32 v20, v12;
	[tilespmem:s21+$0xFFFFFFE0] =	vst v5;
	v19 =	vperm.xlane v1, v16  }
0x99: {  	s22 =	sadd.s32 $0x40, s22;
	s19 =	sadd.s32 $0x1, s19;
	v17 =	vor.u32 v21, v17;
	[tilespmem:s21+$0xFFFFFFF0] =	vst v8;
	v63 =	vperm.xlane v1, v12;
	vm13 =	vlt.f32 v18, v11  }
0x9a: {  	v5 =	vor.u32 v13, v9;
	p0 =	sne.s32 s19, $0x10;
	[tilespmem:s22+$0x10] =	vst v17;
	vm14 =	vlt.f32 v19, v7;
	v7 =	vsel vm13, $0x1, v0  }
.Ltmp5:
0x9b: {  	[tilespmem:s21+$0x0] =	vst v5;
	vm15 =	vlt.f32 v63, v6;
	v5 =	vsel vm14, $0x1, v0;
	v6 =	vor.u32 v7, v14;
	(pc) =	sbr.rel @p0 .LBB2_2-.Ltmp5, $4  }
0x9c: {  	v7 =	vsel vm15, $0x1, v0;
	v5 =	vor.u32 v5, v16;
	[tilespmem:s22+$0xFFFFFFE0] =	vst v6  }
0x9d: {  	v6 =	vor.u32 v7, v12;
	[tilespmem:s22+$0xFFFFFFF0] =	vst v5  }
0x9e: {  	s20 =	sadd.s32 s2, s20;
	[tilespmem:s22+$0x0] =	vst v6  }
0x9f: {  	[hbm4b:s20+s4] =	stream.linear.scatter [tilespmem:s16], [sflag:$0x4], $0x2000, $0x38;
	[tilespmem:$0x8200] =	vst v63  }
0xa0: {  	s18 =	sadd.s32 $0x1, s18  }
0xa1: {  	_ =	swait.ge [sflag:s17], $0x2000;
	p0 =	sne.s32 s18, s8  }
.Ltmp6:
0xa2: {  	[sflag:s17] =	ssyncset.done $0x0;
	(pc) =	sbr.rel @p0 .LBB2_1-.Ltmp6, $4  }
0xa3: {  	[sflag:s17] =	ssyncadd.s32 $0xFFFFE000  }
0xa4: {  	_ =	swait.ge [sflag:s15], $0x2000  }
0xa5: {  	[sflag:s15] =	ssyncset.done $0x0  }
0xa6: {  	[sflag:s15] =	ssyncadd.s32 $0xFFFFE000  }
0xa7: {  	_ =	sfence.sel $0x180000  }
0xa8: {  	[bflag:$0x0] =	sbarrier.arrive $0xFFFF  }
0xa9: {  	p0 =	sne.s32 s3, $0x0;
	_ =	strace $0x90000047  }
0xaa: {  	s0 =	sadd.s32 @!p0 $0x100000, s0;
	[bflag:$0x2] =	sbarrier.arrive $0xFFFF  }
0xab: {  	[sflag:s0] =	ssyncadd.tile.s32 @!p0 $0x1;
	_ =	shalt  }
.Lfunc_end2:
_tile_overlayer_lowered:
.L_overlay_start_2:
0xac: {  	(tag) =	ssettag $0x2  }
0xad: {  	s0 =	rddreg [dreg:$0x0];
	s2 =	stileid.u32  }
0xae: {  	s1 =	rddreg [dreg:$0x1];
	p0 =	sne.s32 s2, $0x0  }
0xaf: {  	s3 =	rddreg [dreg:$0x2];
	[bflag:$0x3] =	sbarrier.arrive $0xFFFF;
	s2 =	simm.s32 @!p0 $0x1C05  }
0xb0: {  	[timem:s3], [sflag:s2] =	dma.local @!p0 [hbm:s0], s1  }
0xb1: {  	s0 =	simm.s32 @!p0 $0x5  }
0xb2: {  	_ =	swait.ge @!p0 [sflag:s0], s1  }
0xb3: {  	s1 =	ssub.s32 @!p0 $0x0, s1;
	[sflag:s0] =	ssyncset.done @!p0 $0x0  }
0xb4: {  	[sflag:s0] =	ssyncadd.s32 @!p0 s1  }
0xb5: {  	[bflag:$0x3] =	sbarrier.arrive $0xFFFF  }
0xb6: {  	_ =	shalt  }

</sc_bundles>
